<compile_context>
chip_gen: v7x
topology: tpu7x:2x2x1
jax: 0.10.2.dev20260603
libtpu: 0.0.44.dev20260713+nightly
codegen_flags: <defaults>
</compile_context>

<pallas_src>
import functools

import jax
import jax.numpy as jnp
from jax import lax
from jax.experimental import pallas as pl
from jax.experimental.pallas import tpu as pltpu
from jax.experimental.pallas import tpu_sc as plsc

N = 10000
E = 320000
D_IN = 128
D_EMB = 128
D_OUT = 64

NC = 2
NS = 16
LANES = 16
NW = NC * NS
E_PER = E // NW
N_PAD = 10240
Z_PER = N_PAD // NS

BN = 5120
N_BLOCKS = N_PAD // BN


def _sc_histograms(edge_index, ew1, ew2):
    mesh = plsc.VectorSubcoreMesh(core_axis_name="c", subcore_axis_name="s")

    @functools.partial(
        pl.kernel,
        out_type=(
            jax.ShapeDtypeStruct((NC, N_PAD), jnp.float32),
            jax.ShapeDtypeStruct((NC, N_PAD), jnp.float32),
        ),
        mesh=mesh,
        scratch_types=[
            pltpu.VMEM((E_PER,), jnp.int32),
            pltpu.VMEM((E_PER,), jnp.float32),
            pltpu.VMEM((E_PER,), jnp.float32),
            pltpu.VMEM((Z_PER,), jnp.float32),
            pltpu.VMEM_SHARED((N_PAD,), jnp.float32),
            pltpu.VMEM_SHARED((N_PAD,), jnp.float32),
            pltpu.SemaphoreType.DMA,
            pltpu.SemaphoreType.DMA,
            pltpu.SemaphoreType.DMA,
            pltpu.SemaphoreType.DMA,
            pltpu.SemaphoreType.DMA,
        ],
    )
    def hist_kernel(idx_hbm, ew1_hbm, ew2_hbm, out1_hbm, out2_hbm,
                    idx_v, w1_v, w2_v, z_v, h1_s, h2_s,
                    sem1, sem2, sem3, sem4, sem5):
        cid = lax.axis_index("c")
        sid = lax.axis_index("s")
        base = (cid * NS + sid) * E_PER
        cp1 = pltpu.async_copy(idx_hbm.at[pl.ds(base, E_PER)], idx_v, sem1)
        cp2 = pltpu.async_copy(ew1_hbm.at[pl.ds(base, E_PER)], w1_v, sem2)
        cp3 = pltpu.async_copy(ew2_hbm.at[pl.ds(base, E_PER)], w2_v, sem3)

        zero = jnp.zeros((LANES,), jnp.float32)

        @pl.loop(0, Z_PER, step=LANES)
        def _(i):
            z_v[pl.ds(i, LANES)] = zero

        slc = pl.ds(sid * Z_PER, Z_PER)
        pltpu.sync_copy(z_v, h1_s.at[slc])
        pltpu.sync_copy(z_v, h2_s.at[slc])
        plsc.subcore_barrier()

        cp1.wait()
        cp2.wait()
        cp3.wait()
        sc1 = pltpu.async_copy(w1_v, h1_s.at[idx_v], sem4, add=True)
        sc2 = pltpu.async_copy(w2_v, h2_s.at[idx_v], sem5, add=True)
        sc1.wait()
        sc2.wait()
        plsc.subcore_barrier()

        pltpu.sync_copy(h1_s.at[slc], out1_hbm.at[cid, slc])
        pltpu.sync_copy(h2_s.at[slc], out2_hbm.at[cid, slc])

    return hist_kernel(edge_index, ew1, ew2)


def _dense_body(ft_ref, w1_ref, w2_ref, a1_ref, b1_ref, c1_ref,
                a2_ref, b2_ref, c2_ref, bias1_ref, bias2_ref, o_ref):
    f = ft_ref[...]
    w1 = (w1_ref[0, :] + w1_ref[1, :])[None, :]
    w2 = (w2_ref[0, :] + w2_ref[1, :])[None, :]
    dot = functools.partial(jnp.dot, preferred_element_type=jnp.float32)
    x = (dot(a1_ref[...], f)
         + dot(b1_ref[...], f) * w1
         + dot(c1_ref[...], f) * w2
         + bias1_ref[...])
    xb = x.astype(jnp.bfloat16)
    z = (dot(a2_ref[...], xb)
         + dot(b2_ref[...], xb) * w1
         + dot(c2_ref[...], xb) * w2
         + bias2_ref[...])
    o_ref[...] = z


def _dense(ft, w1p, w2p, a1, b1m, c1m, a2, b2m, c2m, bias1, bias2):
    full = lambda r, c: pl.BlockSpec((r, c), lambda i: (0, 0))
    return pl.pallas_call(
        _dense_body,
        grid=(N_BLOCKS,),
        in_specs=[
            pl.BlockSpec((D_IN, BN), lambda i: (0, i)),
            pl.BlockSpec((NC, BN), lambda i: (0, i)),
            pl.BlockSpec((NC, BN), lambda i: (0, i)),
            full(D_EMB, D_IN),
            full(D_EMB, D_IN),
            full(D_EMB, D_IN),
            full(D_OUT, D_EMB),
            full(D_OUT, D_EMB),
            full(D_OUT, D_EMB),
            full(D_EMB, 1),
            full(D_OUT, 1),
        ],
        out_specs=pl.BlockSpec((D_OUT, BN), lambda i: (0, i)),
        out_shape=jax.ShapeDtypeStruct((D_OUT, N), jnp.float32),
    )(ft, w1p, w2p, a1, b1m, c1m, a2, b2m, c2m, bias1, bias2)


def kernel(features, edge_index1, edge_index2, edge_weight1, edge_weight2,
           ib1_ln_W, ib1_ln_b, ib1_c1_W, ib1_c1_b, ib1_c2_W, ib1_c2_b,
           ib2_ln_W, ib2_ln_b, ib2_c1_W, ib2_c1_b, ib2_c2_W, ib2_c2_b):
    w1p, w2p = _sc_histograms(edge_index1, edge_weight1, edge_weight2)
    bf = jnp.bfloat16
    ft = features.T.astype(bf)
    bias1 = (ib1_ln_b + ib1_c1_b + ib1_c2_b).reshape(D_EMB, 1)
    bias2 = (ib2_ln_b + ib2_c1_b + ib2_c2_b).reshape(D_OUT, 1)
    zt = _dense(ft, w1p, w2p, ib1_ln_W.astype(bf), ib1_c1_W.T.astype(bf),
                ib1_c2_W.T.astype(bf), ib2_ln_W.astype(bf),
                ib2_c1_W.T.astype(bf), ib2_c2_W.T.astype(bf), bias1, bias2)
    return zt.T

# --- scband reference (transcript-rebuilt; emitter-appended) ---
"""Pipeline reference for scband-di-gcn-inception-block-ranking-83202106458340 (READ-ONLY COPY).

The authoritative reference and input builder live on the scoring server;
editing this copy changes nothing except your own understanding.
"""

import jax, jax.numpy as jnp
import numpy as np

N = 10000
E = 320000
D_IN = 128
D_EMB = 128
D_OUT = 64


def _lin_init(k, shape):
    return (jax.random.normal(k, shape, dtype=jnp.float32) * (1.0 / np.sqrt(shape[-1]))).astype(jnp.float32)


def setup_inputs(seed: int = 0) -> dict:
    key = jax.random.key(seed)
    ks = jax.random.split(key, 20)
    inp = {}
    inp['features'] = jax.random.normal(ks[0], (N, D_IN), dtype=jnp.float32)
    inp['edge_index1'] = jax.random.randint(ks[1], (E,), 0, N, dtype=jnp.int32)
    inp['edge_index2'] = jax.random.randint(ks[2], (E,), 0, N, dtype=jnp.int32)
    inp['edge_weight1'] = jax.random.uniform(ks[3], (E,), dtype=jnp.float32)
    inp['edge_weight2'] = jax.random.uniform(ks[4], (E,), dtype=jnp.float32)
    # InceptionBlock 1 params (ln: Linear(D_IN -> D_EMB), conv weights: [in, out])
    inp['ib1_ln_W'] = _lin_init(ks[5], (D_EMB, D_IN))
    inp['ib1_ln_b'] = jnp.zeros((D_EMB,), jnp.float32)
    inp['ib1_c1_W'] = _lin_init(ks[6], (D_IN, D_EMB))
    inp['ib1_c1_b'] = jnp.zeros((D_EMB,), jnp.float32)
    inp['ib1_c2_W'] = _lin_init(ks[7], (D_IN, D_EMB))
    inp['ib1_c2_b'] = jnp.zeros((D_EMB,), jnp.float32)
    # InceptionBlock 2 params (ln: Linear(D_EMB -> D_OUT))
    inp['ib2_ln_W'] = _lin_init(ks[8], (D_OUT, D_EMB))
    inp['ib2_ln_b'] = jnp.zeros((D_OUT,), jnp.float32)
    inp['ib2_c1_W'] = _lin_init(ks[9], (D_EMB, D_OUT))
    inp['ib2_c1_b'] = jnp.zeros((D_OUT,), jnp.float32)
    inp['ib2_c2_W'] = _lin_init(ks[10], (D_EMB, D_OUT))
    inp['ib2_c2_b'] = jnp.zeros((D_OUT,), jnp.float32)
    return inp


def _digcn_conv(x, W, b, src, dst, norm, n):
    # DIGCNConv: x @ W, then scatter-add of norm-weighted source messages into dst, plus bias
    h = x @ W
    msg = norm[:, None] * jnp.take(h, src, axis=0)
    out = jnp.zeros((n, h.shape[1]), h.dtype).at[dst].add(msg)
    return out + b


def reference(features, edge_index1, edge_index2, edge_weight1, edge_weight2,
              ib1_ln_W, ib1_ln_b, ib1_c1_W, ib1_c1_b, ib1_c2_W, ib1_c2_b,
              ib2_ln_W, ib2_ln_b, ib2_c1_W, ib2_c1_b, ib2_c2_W, ib2_c2_b):
    # Faithful to original forward: edge_index and edge_index2 are BOTH rebuilt as
    # stack([edge_index1, edge_index1]) due to the reshape/cat in the source code,
    # i.e. src = dst = edge_index1 for every conv; edge_weight2 still used by conv2.
    src = edge_index1
    dst = edge_index1
    x = features
    # InceptionBlock 1
    x0 = x @ ib1_ln_W.T + ib1_ln_b
    x1 = _digcn_conv(x, ib1_c1_W, ib1_c1_b, src, dst, edge_weight1, N)
    x2 = _digcn_conv(x, ib1_c2_W, ib1_c2_b, src, dst, edge_weight2, N)
    # dropout p=0.0 is identity; double cast kept in float32 (jax x64 disabled)
    x = x0 + x1 + x2
    # InceptionBlock 2
    x0 = x @ ib2_ln_W.T + ib2_ln_b
    x1 = _digcn_conv(x, ib2_c1_W, ib2_c1_b, src, dst, edge_weight1, N)
    x2 = _digcn_conv(x, ib2_c2_W, ib2_c2_b, src, dst, edge_weight2, N)
    z = x0 + x1 + x2
    return z

if __name__ == "__main__":
    import jax
    _d = setup_inputs()
    print(jax.jit(kernel)(*tuple(_d.values())))

</pallas_src>

<mosaic_0001>
#map = affine_map<(d0, d1) -> (0)>
#map1 = affine_map<(d0, d1) -> (0, 0)>
module attributes {stable_mosaic.version = 14 : i64} {
  func.func @hist_kernel(%arg0: i32, %arg1: i32, %arg2: memref<320000xi32, #tpu.memory_space<hbm>>, %arg3: memref<320000xf32, #tpu.memory_space<hbm>>, %arg4: memref<320000xf32, #tpu.memory_space<hbm>>, %arg5: memref<2x10240xf32, #tpu.memory_space<hbm>>, %arg6: memref<2x10240xf32, #tpu.memory_space<hbm>>, %arg7: memref<10000xi32, #tpu.memory_space<vmem>>, %arg8: memref<10000xf32, #tpu.memory_space<vmem>>, %arg9: memref<10000xf32, #tpu.memory_space<vmem>>, %arg10: memref<640xf32, #tpu.memory_space<vmem>>, %arg11: memref<10240xf32, #tpu.memory_space<vmem_shared>>, %arg12: memref<10240xf32, #tpu.memory_space<vmem_shared>>, %arg13: memref<!tpu.dma_semaphore, #tpu.memory_space<semaphore_mem>>, %arg14: memref<!tpu.dma_semaphore, #tpu.memory_space<semaphore_mem>>, %arg15: memref<!tpu.dma_semaphore, #tpu.memory_space<semaphore_mem>>, %arg16: memref<!tpu.dma_semaphore, #tpu.memory_space<semaphore_mem>>, %arg17: memref<!tpu.dma_semaphore, #tpu.memory_space<semaphore_mem>>) attributes {dimension_semantics = [#tpu.dimension_semantics<core_parallel>, #tpu.dimension_semantics<subcore_parallel>], iteration_bounds = array<i64: 2, 16>, scalar_prefetch = 0 : i64, scratch_operands = 11 : i64, tpu.core_type = #tpu.core_type<sc_vector_subcore>, window_params = [{transform_indices = #map}, {transform_indices = #map}, {transform_indices = #map}, {transform_indices = #map1}, {transform_indices = #map1}]} {
    %mul3A = arith.constant 16 : i32
    %mul3A_0 = arith.muli %arg0, %mul3A : i32
    %add3A = arith.addi %mul3A_0, %arg1 : i32
    %mul3A_1 = arith.constant 10000 : i32
    %mul3A_2 = arith.muli %add3A, %mul3A_1 : i32
    %dma_start3A = tpu.memref_slice %arg2[%mul3A_2] : memref<320000xi32, #tpu.memory_space<hbm>> -> memref<10000xi32, #tpu.memory_space<hbm>>
    %dma_start3A_3 = tpu.memref_slice %arg2[%mul3A_2] : memref<320000xi32, #tpu.memory_space<hbm>> -> memref<10000xi32, #tpu.memory_space<hbm>>
    tpu.enqueue_dma source(%dma_start3A_3 : memref<10000xi32, #tpu.memory_space<hbm>>) target(%arg7 : memref<10000xi32, #tpu.memory_space<vmem>>) target_semaphore(%arg13 : memref<!tpu.dma_semaphore, #tpu.memory_space<semaphore_mem>>)
    %dma_start3A_4 = tpu.memref_slice %arg3[%mul3A_2] : memref<320000xf32, #tpu.memory_space<hbm>> -> memref<10000xf32, #tpu.memory_space<hbm>>
    %dma_start3A_5 = tpu.memref_slice %arg3[%mul3A_2] : memref<320000xf32, #tpu.memory_space<hbm>> -> memref<10000xf32, #tpu.memory_space<hbm>>
    tpu.enqueue_dma source(%dma_start3A_5 : memref<10000xf32, #tpu.memory_space<hbm>>) target(%arg8 : memref<10000xf32, #tpu.memory_space<vmem>>) target_semaphore(%arg14 : memref<!tpu.dma_semaphore, #tpu.memory_space<semaphore_mem>>)
    %dma_start3A_6 = tpu.memref_slice %arg4[%mul3A_2] : memref<320000xf32, #tpu.memory_space<hbm>> -> memref<10000xf32, #tpu.memory_space<hbm>>
    %dma_start3A_7 = tpu.memref_slice %arg4[%mul3A_2] : memref<320000xf32, #tpu.memory_space<hbm>> -> memref<10000xf32, #tpu.memory_space<hbm>>
    tpu.enqueue_dma source(%dma_start3A_7 : memref<10000xf32, #tpu.memory_space<hbm>>) target(%arg9 : memref<10000xf32, #tpu.memory_space<vmem>>) target_semaphore(%arg15 : memref<!tpu.dma_semaphore, #tpu.memory_space<semaphore_mem>>)
    %broadcast_in_dim3A = arith.constant 0.000000e+00 : f32
    %broadcast_in_dim3A_8 = vector.broadcast %broadcast_in_dim3A : f32 to vector<16xf32>
    %scan3A = arith.constant 0 : i32
    %scan3A_9 = arith.constant 40 : i32
    %scan3A_10 = arith.addi %scan3A, %scan3A_9 : i32
    %scan3A_11 = arith.constant 1 : i32
    scf.for %scan3A_29 = %scan3A to %scan3A_10 step %scan3A_11  : i32 {
      %mul3A_30 = arith.constant 16 : i32
      %mul3A_31 = arith.muli %scan3A_29, %mul3A_30 : i32
      %add3A_32 = arith.constant 0 : i32
      %add3A_33 = arith.addi %add3A_32, %mul3A_31 : i32
      %swap3A = arith.index_cast %add3A_33 : i32 to index
      %swap3A_34 = tpu.vector_load %arg10[%swap3A] {strides = array<i32>} : memref<640xf32, #tpu.memory_space<vmem>>, vector<16xf32>,
      %swap3A_35 = vector.shape_cast %swap3A_34 : vector<16xf32> to vector<16xf32>
      %swap3A_36 = vector.shape_cast %broadcast_in_dim3A_8 : vector<16xf32> to vector<16xf32>
      tpu.vector_store %arg10[%swap3A], %swap3A_36 {strides = array<i32>} : memref<640xf32, #tpu.memory_space<vmem>>, vector<16xf32>,
    }
    %scan3A_12 = arith.constant 40 : i32
    %mul3A_13 = arith.constant 640 : i32
    %mul3A_14 = arith.muli %arg1, %mul3A_13 : i32
    "tpu.region"() ({
      %run_scoped3A = tpu.sem_alloc : memref<!tpu.dma_semaphore, #tpu.memory_space<semaphore_mem>>
      %dma_start3A_29 = tpu.memref_slice %arg11[%mul3A_14] : memref<10240xf32, #tpu.memory_space<vmem_shared>> -> memref<640xf32, #tpu.memory_space<vmem_shared>>
      %dma_start3A_30 = tpu.memref_slice %arg11[%mul3A_14] : memref<10240xf32, #tpu.memory_space<vmem_shared>> -> memref<640xf32, #tpu.memory_space<vmem_shared>>
      tpu.enqueue_dma source(%arg10 : memref<640xf32, #tpu.memory_space<vmem>>) target(%dma_start3A_30 : memref<640xf32, #tpu.memory_space<vmem_shared>>) target_semaphore(%run_scoped3A : memref<!tpu.dma_semaphore, #tpu.memory_space<semaphore_mem>>)
      %dma_wait3A_31 = tpu.memref_slice %arg11[%mul3A_14] : memref<10240xf32, #tpu.memory_space<vmem_shared>> -> memref<640xf32, #tpu.memory_space<vmem_shared>>
      %dma_wait3A_32 = tpu.memref_slice %arg11[%mul3A_14] : memref<10240xf32, #tpu.memory_space<vmem_shared>> -> memref<640xf32, #tpu.memory_space<vmem_shared>>
      tpu.wait_dma2 semaphore(%run_scoped3A : memref<!tpu.dma_semaphore, #tpu.memory_space<semaphore_mem>>) src(%arg10 : memref<640xf32, #tpu.memory_space<vmem>>) dst(%dma_wait3A_32 : memref<640xf32, #tpu.memory_space<vmem_shared>>)
      tpu.yield
    }) : () -> ()
    "tpu.region"() ({
      %run_scoped3A = tpu.sem_alloc : memref<!tpu.dma_semaphore, #tpu.memory_space<semaphore_mem>>
      %dma_start3A_29 = tpu.memref_slice %arg12[%mul3A_14] : memref<10240xf32, #tpu.memory_space<vmem_shared>> -> memref<640xf32, #tpu.memory_space<vmem_shared>>
      %dma_start3A_30 = tpu.memref_slice %arg12[%mul3A_14] : memref<10240xf32, #tpu.memory_space<vmem_shared>> -> memref<640xf32, #tpu.memory_space<vmem_shared>>
      tpu.enqueue_dma source(%arg10 : memref<640xf32, #tpu.memory_space<vmem>>) target(%dma_start3A_30 : memref<640xf32, #tpu.memory_space<vmem_shared>>) target_semaphore(%run_scoped3A : memref<!tpu.dma_semaphore, #tpu.memory_space<semaphore_mem>>)
      %dma_wait3A_31 = tpu.memref_slice %arg12[%mul3A_14] : memref<10240xf32, #tpu.memory_space<vmem_shared>> -> memref<640xf32, #tpu.memory_space<vmem_shared>>
      %dma_wait3A_32 = tpu.memref_slice %arg12[%mul3A_14] : memref<10240xf32, #tpu.memory_space<vmem_shared>> -> memref<640xf32, #tpu.memory_space<vmem_shared>>
      tpu.wait_dma2 semaphore(%run_scoped3A : memref<!tpu.dma_semaphore, #tpu.memory_space<semaphore_mem>>) src(%arg10 : memref<640xf32, #tpu.memory_space<vmem>>) dst(%dma_wait3A_32 : memref<640xf32, #tpu.memory_space<vmem_shared>>)
      tpu.yield
    }) : () -> ()
    %barrier3A = arith.constant 0 : index
    tpu.barrier barrier_id(%barrier3A)
    %dma_wait3A = tpu.memref_slice %arg2[%mul3A_2] : memref<320000xi32, #tpu.memory_space<hbm>> -> memref<10000xi32, #tpu.memory_space<hbm>>
    %dma_wait3A_15 = tpu.memref_slice %arg2[%mul3A_2] : memref<320000xi32, #tpu.memory_space<hbm>> -> memref<10000xi32, #tpu.memory_space<hbm>>
    tpu.wait_dma2 semaphore(%arg13 : memref<!tpu.dma_semaphore, #tpu.memory_space<semaphore_mem>>) src(%dma_wait3A_15 : memref<10000xi32, #tpu.memory_space<hbm>>) dst(%arg7 : memref<10000xi32, #tpu.memory_space<vmem>>)
    %dma_wait3A_16 = tpu.memref_slice %arg3[%mul3A_2] : memref<320000xf32, #tpu.memory_space<hbm>> -> memref<10000xf32, #tpu.memory_space<hbm>>
    %dma_wait3A_17 = tpu.memref_slice %arg3[%mul3A_2] : memref<320000xf32, #tpu.memory_space<hbm>> -> memref<10000xf32, #tpu.memory_space<hbm>>
    tpu.wait_dma2 semaphore(%arg14 : memref<!tpu.dma_semaphore, #tpu.memory_space<semaphore_mem>>) src(%dma_wait3A_17 : memref<10000xf32, #tpu.memory_space<hbm>>) dst(%arg8 : memref<10000xf32, #tpu.memory_space<vmem>>)
    %dma_wait3A_18 = tpu.memref_slice %arg4[%mul3A_2] : memref<320000xf32, #tpu.memory_space<hbm>> -> memref<10000xf32, #tpu.memory_space<hbm>>
    %dma_wait3A_19 = tpu.memref_slice %arg4[%mul3A_2] : memref<320000xf32, #tpu.memory_space<hbm>> -> memref<10000xf32, #tpu.memory_space<hbm>>
    tpu.wait_dma2 semaphore(%arg15 : memref<!tpu.dma_semaphore, #tpu.memory_space<semaphore_mem>>) src(%dma_wait3A_19 : memref<10000xf32, #tpu.memory_space<hbm>>) dst(%arg9 : memref<10000xf32, #tpu.memory_space<vmem>>)
    %dma_start3A_20 = arith.constant 0 : i32
    %dma_start3A_21 = tpu.memref_slice %arg11[%dma_start3A_20] : memref<10240xf32, #tpu.memory_space<vmem_shared>> -> memref<10240xf32, #tpu.memory_space<vmem_shared>>
    tpu.enqueue_indirect_dma source(%arg8 : memref<10000xf32, #tpu.memory_space<vmem>>) target(%dma_start3A_21 : memref<10240xf32, #tpu.memory_space<vmem_shared>>) offsets(%arg7 : memref<10000xi32, #tpu.memory_space<vmem>>) semaphore(%arg16 : memref<!tpu.dma_semaphore, #tpu.memory_space<semaphore_mem>>) {add = true}
    %dma_start3A_22 = arith.constant 0 : i32
    %dma_start3A_23 = tpu.memref_slice %arg12[%dma_start3A_22] : memref<10240xf32, #tpu.memory_space<vmem_shared>> -> memref<10240xf32, #tpu.memory_space<vmem_shared>>
    tpu.enqueue_indirect_dma source(%arg9 : memref<10000xf32, #tpu.memory_space<vmem>>) target(%dma_start3A_23 : memref<10240xf32, #tpu.memory_space<vmem_shared>>) offsets(%arg7 : memref<10000xi32, #tpu.memory_space<vmem>>) semaphore(%arg17 : memref<!tpu.dma_semaphore, #tpu.memory_space<semaphore_mem>>) {add = true}
    %dma_wait3A_24 = arith.constant 0 : i32
    %dma_wait3A_25 = tpu.memref_slice %arg11[%dma_wait3A_24] : memref<10240xf32, #tpu.memory_space<vmem_shared>> -> memref<10240xf32, #tpu.memory_space<vmem_shared>>
    tpu.wait_indirect_dma semaphore(%arg16 : memref<!tpu.dma_semaphore, #tpu.memory_space<semaphore_mem>>) src(%arg8 : memref<10000xf32, #tpu.memory_space<vmem>>) dst(%dma_wait3A_25 : memref<10240xf32, #tpu.memory_space<vmem_shared>>)
    %dma_wait3A_26 = arith.constant 0 : i32
    %dma_wait3A_27 = tpu.memref_slice %arg12[%dma_wait3A_26] : memref<10240xf32, #tpu.memory_space<vmem_shared>> -> memref<10240xf32, #tpu.memory_space<vmem_shared>>
    tpu.wait_indirect_dma semaphore(%arg17 : memref<!tpu.dma_semaphore, #tpu.memory_space<semaphore_mem>>) src(%arg9 : memref<10000xf32, #tpu.memory_space<vmem>>) dst(%dma_wait3A_27 : memref<10240xf32, #tpu.memory_space<vmem_shared>>)
    %barrier3A_28 = arith.constant 0 : index
    tpu.barrier barrier_id(%barrier3A_28)
    "tpu.region"() ({
      %run_scoped3A = tpu.sem_alloc : memref<!tpu.dma_semaphore, #tpu.memory_space<semaphore_mem>>
      %dma_start3A_29 = tpu.memref_slice %arg5[%arg0, %mul3A_14] : memref<2x10240xf32, #tpu.memory_space<hbm>> -> memref<1x640xf32, #tpu.memory_space<hbm>>
      %dma_start3A_30 = tpu.memref_squeeze %dma_start3A_29 : memref<1x640xf32, #tpu.memory_space<hbm>> -> memref<640xf32, #tpu.memory_space<hbm>>
      %dma_start3A_31 = tpu.memref_slice %arg11[%mul3A_14] : memref<10240xf32, #tpu.memory_space<vmem_shared>> -> memref<640xf32, #tpu.memory_space<vmem_shared>>
      tpu.enqueue_dma source(%dma_start3A_31 : memref<640xf32, #tpu.memory_space<vmem_shared>>) target(%dma_start3A_30 : memref<640xf32, #tpu.memory_space<hbm>>) target_semaphore(%run_scoped3A : memref<!tpu.dma_semaphore, #tpu.memory_space<semaphore_mem>>)
      %dma_wait3A_32 = tpu.memref_slice %arg5[%arg0, %mul3A_14] : memref<2x10240xf32, #tpu.memory_space<hbm>> -> memref<1x640xf32, #tpu.memory_space<hbm>>
      %dma_wait3A_33 = tpu.memref_squeeze %dma_wait3A_32 : memref<1x640xf32, #tpu.memory_space<hbm>> -> memref<640xf32, #tpu.memory_space<hbm>>
      %dma_wait3A_34 = tpu.memref_slice %arg11[%mul3A_14] : memref<10240xf32, #tpu.memory_space<vmem_shared>> -> memref<640xf32, #tpu.memory_space<vmem_shared>>
      tpu.wait_dma2 semaphore(%run_scoped3A : memref<!tpu.dma_semaphore, #tpu.memory_space<semaphore_mem>>) src(%dma_wait3A_34 : memref<640xf32, #tpu.memory_space<vmem_shared>>) dst(%dma_wait3A_33 : memref<640xf32, #tpu.memory_space<hbm>>)
      tpu.yield
    }) : () -> ()
    "tpu.region"() ({
      %run_scoped3A = tpu.sem_alloc : memref<!tpu.dma_semaphore, #tpu.memory_space<semaphore_mem>>
      %dma_start3A_29 = tpu.memref_slice %arg6[%arg0, %mul3A_14] : memref<2x10240xf32, #tpu.memory_space<hbm>> -> memref<1x640xf32, #tpu.memory_space<hbm>>
      %dma_start3A_30 = tpu.memref_squeeze %dma_start3A_29 : memref<1x640xf32, #tpu.memory_space<hbm>> -> memref<640xf32, #tpu.memory_space<hbm>>
      %dma_start3A_31 = tpu.memref_slice %arg12[%mul3A_14] : memref<10240xf32, #tpu.memory_space<vmem_shared>> -> memref<640xf32, #tpu.memory_space<vmem_shared>>
      tpu.enqueue_dma source(%dma_start3A_31 : memref<640xf32, #tpu.memory_space<vmem_shared>>) target(%dma_start3A_30 : memref<640xf32, #tpu.memory_space<hbm>>) target_semaphore(%run_scoped3A : memref<!tpu.dma_semaphore, #tpu.memory_space<semaphore_mem>>)
      %dma_wait3A_32 = tpu.memref_slice %arg6[%arg0, %mul3A_14] : memref<2x10240xf32, #tpu.memory_space<hbm>> -> memref<1x640xf32, #tpu.memory_space<hbm>>
      %dma_wait3A_33 = tpu.memref_squeeze %dma_wait3A_32 : memref<1x640xf32, #tpu.memory_space<hbm>> -> memref<640xf32, #tpu.memory_space<hbm>>
      %dma_wait3A_34 = tpu.memref_slice %arg12[%mul3A_14] : memref<10240xf32, #tpu.memory_space<vmem_shared>> -> memref<640xf32, #tpu.memory_space<vmem_shared>>
      tpu.wait_dma2 semaphore(%run_scoped3A : memref<!tpu.dma_semaphore, #tpu.memory_space<semaphore_mem>>) src(%dma_wait3A_34 : memref<640xf32, #tpu.memory_space<vmem_shared>>) dst(%dma_wait3A_33 : memref<640xf32, #tpu.memory_space<hbm>>)
      tpu.yield
    }) : () -> ()
    return
  }
}

module attributes {stable_mosaic.version = 14 : i64} {
  func.func @_dense_body(%arg0: i32, %arg1: memref<128x5120xbf16, #tpu.memory_space<vmem>>, %arg2: memref<2x5120xf32, #tpu.memory_space<vmem>>, %arg3: memref<2x5120xf32, #tpu.memory_space<vmem>>, %arg4: memref<128x128xbf16, #tpu.memory_space<vmem>>, %arg5: memref<128x128xbf16, #tpu.memory_space<vmem>>, %arg6: memref<128x128xbf16, #tpu.memory_space<vmem>>, %arg7: memref<64x128xbf16, #tpu.memory_space<vmem>>, %arg8: memref<64x128xbf16, #tpu.memory_space<vmem>>, %arg9: memref<64x128xbf16, #tpu.memory_space<vmem>>, %arg10: memref<128x1xf32, #tpu.memory_space<vmem>>, %arg11: memref<64x1xf32, #tpu.memory_space<vmem>>, %arg12: memref<64x5120xf32, #tpu.memory_space<vmem>>) attributes {dimension_semantics = [#tpu.dimension_semantics<arbitrary>], iteration_bounds = array<i64: 2>, scalar_prefetch = 0 : i64, scratch_operands = 0 : i64, tpu.core_type = #tpu.core_type<tc>, window_params = [{transform_indices = @transform_0, window_bounds = array<i64: 128, 5120>}, {transform_indices = @transform_1, window_bounds = array<i64: 2, 5120>}, {transform_indices = @transform_2, window_bounds = array<i64: 2, 5120>}, {pipeline_mode = #tpu.pipeline_mode<synchronous>, transform_indices = @transform_3, window_bounds = array<i64: 128, 128>}, {pipeline_mode = #tpu.pipeline_mode<synchronous>, transform_indices = @transform_4, window_bounds = array<i64: 128, 128>}, {pipeline_mode = #tpu.pipeline_mode<synchronous>, transform_indices = @transform_5, window_bounds = array<i64: 128, 128>}, {pipeline_mode = #tpu.pipeline_mode<synchronous>, transform_indices = @transform_6, window_bounds = array<i64: 64, 128>}, {pipeline_mode = #tpu.pipeline_mode<synchronous>, transform_indices = @transform_7, window_bounds = array<i64: 64, 128>}, {pipeline_mode = #tpu.pipeline_mode<synchronous>, transform_indices = @transform_8, window_bounds = array<i64: 64, 128>}, {pipeline_mode = #tpu.pipeline_mode<synchronous>, transform_indices = @transform_9, window_bounds = array<i64: 128, 1>}, {pipeline_mode = #tpu.pipeline_mode<synchronous>, transform_indices = @transform_10, window_bounds = array<i64: 64, 1>}, {transform_indices = @transform_11, window_bounds = array<i64: 64, 5120>}]} {
    %get3A = arith.constant 0 : index
    %get3A_0 = arith.constant 0 : index
    %get3A_1 = vector.load %arg1[%get3A, %get3A_0] : memref<128x5120xbf16, #tpu.memory_space<vmem>>, vector<128x5120xbf16>
    %get3A_2 = arith.constant 0 : index
    %get3A_3 = arith.constant 0 : index
    %get3A_4 = vector.load %arg2[%get3A_2, %get3A_3] : memref<2x5120xf32, #tpu.memory_space<vmem>>, vector<1x5120xf32>
    %get3A_5 = vector.shape_cast %get3A_4 : vector<1x5120xf32> to vector<5120xf32>
    %get3A_6 = arith.constant 1 : index
    %get3A_7 = arith.constant 0 : index
    %get3A_8 = vector.load %arg2[%get3A_6, %get3A_7] : memref<2x5120xf32, #tpu.memory_space<vmem>>, vector<1x5120xf32>
    %get3A_9 = vector.shape_cast %get3A_8 : vector<1x5120xf32> to vector<5120xf32>
    %add3A = arith.addf %get3A_5, %get3A_9 : vector<5120xf32>
    %broadcast_in_dim3A = vector.shape_cast %add3A : vector<5120xf32> to vector<1x5120xf32>
    %get3A_10 = arith.constant 0 : index
    %get3A_11 = arith.constant 0 : index
    %get3A_12 = vector.load %arg3[%get3A_10, %get3A_11] : memref<2x5120xf32, #tpu.memory_space<vmem>>, vector<1x5120xf32>
    %get3A_13 = vector.shape_cast %get3A_12 : vector<1x5120xf32> to vector<5120xf32>
    %get3A_14 = arith.constant 1 : index
    %get3A_15 = arith.constant 0 : index
    %get3A_16 = vector.load %arg3[%get3A_14, %get3A_15] : memref<2x5120xf32, #tpu.memory_space<vmem>>, vector<1x5120xf32>
    %get3A_17 = vector.shape_cast %get3A_16 : vector<1x5120xf32> to vector<5120xf32>
    %add3A_18 = arith.addf %get3A_13, %get3A_17 : vector<5120xf32>
    %broadcast_in_dim3A_19 = vector.shape_cast %add3A_18 : vector<5120xf32> to vector<1x5120xf32>
    %get3A_20 = arith.constant 0 : index
    %get3A_21 = arith.constant 0 : index
    %get3A_22 = vector.load %arg4[%get3A_20, %get3A_21] : memref<128x128xbf16, #tpu.memory_space<vmem>>, vector<128x128xbf16>
    %dot_general3A = arith.constant dense<0.000000e+00> : vector<128x5120xf32>
    %dot_general3A_23 = tpu.matmul %get3A_22, %get3A_1, %dot_general3A {dimension_numbers = #tpu.dot_dimension_numbers<[1], [0], [0], [1], [0, 0, 1, 1], [], []>, transpose_lhs_hint = false} : vector<128x128xbf16>, vector<128x5120xbf16>, vector<128x5120xf32> -> vector<128x5120xf32>
    %get3A_24 = arith.constant 0 : index
    %get3A_25 = arith.constant 0 : index
    %get3A_26 = vector.load %arg5[%get3A_24, %get3A_25] : memref<128x128xbf16, #tpu.memory_space<vmem>>, vector<128x128xbf16>
    %dot_general3A_27 = arith.constant dense<0.000000e+00> : vector<128x5120xf32>
    %dot_general3A_28 = tpu.matmul %get3A_26, %get3A_1, %dot_general3A_27 {dimension_numbers = #tpu.dot_dimension_numbers<[1], [0], [0], [1], [0, 0, 1, 1], [], []>, transpose_lhs_hint = false} : vector<128x128xbf16>, vector<128x5120xbf16>, vector<128x5120xf32> -> vector<128x5120xf32>
    %mul3A = vector.broadcast %broadcast_in_dim3A : vector<1x5120xf32> to vector<128x5120xf32>
    %mul3A_29 = arith.mulf %dot_general3A_28, %mul3A : vector<128x5120xf32>
    %add3A_30 = arith.addf %dot_general3A_23, %mul3A_29 : vector<128x5120xf32>
    %get3A_31 = arith.constant 0 : index
    %get3A_32 = arith.constant 0 : index
    %get3A_33 = vector.load %arg6[%get3A_31, %get3A_32] : memref<128x128xbf16, #tpu.memory_space<vmem>>, vector<128x128xbf16>
    %dot_general3A_34 = arith.constant dense<0.000000e+00> : vector<128x5120xf32>
    %dot_general3A_35 = tpu.matmul %get3A_33, %get3A_1, %dot_general3A_34 {dimension_numbers = #tpu.dot_dimension_numbers<[1], [0], [0], [1], [0, 0, 1, 1], [], []>, transpose_lhs_hint = false} : vector<128x128xbf16>, vector<128x5120xbf16>, vector<128x5120xf32> -> vector<128x5120xf32>
    %mul3A_36 = vector.broadcast %broadcast_in_dim3A_19 : vector<1x5120xf32> to vector<128x5120xf32>
    %mul3A_37 = arith.mulf %dot_general3A_35, %mul3A_36 : vector<128x5120xf32>
    %add3A_38 = arith.addf %add3A_30, %mul3A_37 : vector<128x5120xf32>
    %get3A_39 = arith.constant 0 : index
    %get3A_40 = arith.constant 0 : index
    %get3A_41 = vector.load %arg10[%get3A_39, %get3A_40] : memref<128x1xf32, #tpu.memory_space<vmem>>, vector<128x1xf32>
    %add3A_42 = vector.broadcast %get3A_41 : vector<128x1xf32> to vector<128x5120xf32>
    %add3A_43 = arith.addf %add3A_38, %add3A_42 : vector<128x5120xf32>
    %convert_element_type3A = arith.truncf %add3A_43 : vector<128x5120xf32> to vector<128x5120xbf16>
    %get3A_44 = arith.constant 0 : index
    %get3A_45 = arith.constant 0 : index
    %get3A_46 = vector.load %arg7[%get3A_44, %get3A_45] : memref<64x128xbf16, #tpu.memory_space<vmem>>, vector<64x128xbf16>
    %dot_general3A_47 = arith.constant dense<0.000000e+00> : vector<64x5120xf32>
    %dot_general3A_48 = tpu.matmul %get3A_46, %convert_element_type3A, %dot_general3A_47 {dimension_numbers = #tpu.dot_dimension_numbers<[1], [0], [0], [1], [0, 0, 1, 1], [], []>, transpose_lhs_hint = false} : vector<64x128xbf16>, vector<128x5120xbf16>, vector<64x5120xf32> -> vector<64x5120xf32>
    %get3A_49 = arith.constant 0 : index
    %get3A_50 = arith.constant 0 : index
    %get3A_51 = vector.load %arg8[%get3A_49, %get3A_50] : memref<64x128xbf16, #tpu.memory_space<vmem>>, vector<64x128xbf16>
    %dot_general3A_52 = arith.constant dense<0.000000e+00> : vector<64x5120xf32>
    %dot_general3A_53 = tpu.matmul %get3A_51, %convert_element_type3A, %dot_general3A_52 {dimension_numbers = #tpu.dot_dimension_numbers<[1], [0], [0], [1], [0, 0, 1, 1], [], []>, transpose_lhs_hint = false} : vector<64x128xbf16>, vector<128x5120xbf16>, vector<64x5120xf32> -> vector<64x5120xf32>
    %mul3A_54 = vector.broadcast %broadcast_in_dim3A : vector<1x5120xf32> to vector<64x5120xf32>
    %mul3A_55 = arith.mulf %dot_general3A_53, %mul3A_54 : vector<64x5120xf32>
    %add3A_56 = arith.addf %dot_general3A_48, %mul3A_55 : vector<64x5120xf32>
    %get3A_57 = arith.constant 0 : index
    %get3A_58 = arith.constant 0 : index
    %get3A_59 = vector.load %arg9[%get3A_57, %get3A_58] : memref<64x128xbf16, #tpu.memory_space<vmem>>, vector<64x128xbf16>
    %dot_general3A_60 = arith.constant dense<0.000000e+00> : vector<64x5120xf32>
    %dot_general3A_61 = tpu.matmul %get3A_59, %convert_element_type3A, %dot_general3A_60 {dimension_numbers = #tpu.dot_dimension_numbers<[1], [0], [0], [1], [0, 0, 1, 1], [], []>, transpose_lhs_hint = false} : vector<64x128xbf16>, vector<128x5120xbf16>, vector<64x5120xf32> -> vector<64x5120xf32>
    %mul3A_62 = vector.broadcast %broadcast_in_dim3A_19 : vector<1x5120xf32> to vector<64x5120xf32>
    %mul3A_63 = arith.mulf %dot_general3A_61, %mul3A_62 : vector<64x5120xf32>
    %add3A_64 = arith.addf %add3A_56, %mul3A_63 : vector<64x5120xf32>
    %get3A_65 = arith.constant 0 : index
    %get3A_66 = arith.constant 0 : index
    %get3A_67 = vector.load %arg11[%get3A_65, %get3A_66] : memref<64x1xf32, #tpu.memory_space<vmem>>, vector<64x1xf32>
    %add3A_68 = vector.broadcast %get3A_67 : vector<64x1xf32> to vector<64x5120xf32>
    %add3A_69 = arith.addf %add3A_64, %add3A_68 : vector<64x5120xf32>
    %swap3A = arith.constant 0 : index
    %swap3A_70 = arith.constant 0 : index
    %swap3A_71 = vector.load %arg12[%swap3A, %swap3A_70] : memref<64x5120xf32, #tpu.memory_space<vmem>>, vector<64x5120xf32>
    tpu.vector_store %arg12[%swap3A, %swap3A_70], %add3A_69 {strides = array<i32>} : memref<64x5120xf32, #tpu.memory_space<vmem>>, vector<64x5120xf32>,
    return
  }
  func.func @transform_0(%arg0: i32) -> (i32, i32) {
    %c0_i32 = arith.constant 0 : i32
    %c0_i32_0 = arith.constant 0 : i32
    return %c0_i32, %arg0 : i32, i32
  }
  func.func @transform_1(%arg0: i32) -> (i32, i32) {
    %c0_i32 = arith.constant 0 : i32
    %c0_i32_0 = arith.constant 0 : i32
    return %c0_i32, %arg0 : i32, i32
  }
  func.func @transform_2(%arg0: i32) -> (i32, i32) {
    %c0_i32 = arith.constant 0 : i32
    %c0_i32_0 = arith.constant 0 : i32
    return %c0_i32, %arg0 : i32, i32
  }
  func.func @transform_3(%arg0: i32) -> (i32, i32) {
    %c0_i32 = arith.constant 0 : i32
    %c0_i32_0 = arith.constant 0 : i32
    %c0_i32_1 = arith.constant 0 : i32
    return %c0_i32, %c0_i32_0 : i32, i32
  }
  func.func @transform_4(%arg0: i32) -> (i32, i32) {
    %c0_i32 = arith.constant 0 : i32
    %c0_i32_0 = arith.constant 0 : i32
    %c0_i32_1 = arith.constant 0 : i32
    return %c0_i32, %c0_i32_0 : i32, i32
  }
  func.func @transform_5(%arg0: i32) -> (i32, i32) {
    %c0_i32 = arith.constant 0 : i32
    %c0_i32_0 = arith.constant 0 : i32
    %c0_i32_1 = arith.constant 0 : i32
    return %c0_i32, %c0_i32_0 : i32, i32
  }
  func.func @transform_6(%arg0: i32) -> (i32, i32) {
    %c0_i32 = arith.constant 0 : i32
    %c0_i32_0 = arith.constant 0 : i32
    %c0_i32_1 = arith.constant 0 : i32
    return %c0_i32, %c0_i32_0 : i32, i32
  }
  func.func @transform_7(%arg0: i32) -> (i32, i32) {
    %c0_i32 = arith.constant 0 : i32
    %c0_i32_0 = arith.constant 0 : i32
    %c0_i32_1 = arith.constant 0 : i32
    return %c0_i32, %c0_i32_0 : i32, i32
  }
  func.func @transform_8(%arg0: i32) -> (i32, i32) {
    %c0_i32 = arith.constant 0 : i32
    %c0_i32_0 = arith.constant 0 : i32
    %c0_i32_1 = arith.constant 0 : i32
    return %c0_i32, %c0_i32_0 : i32, i32
  }
  func.func @transform_9(%arg0: i32) -> (i32, i32) {
    %c0_i32 = arith.constant 0 : i32
    %c0_i32_0 = arith.constant 0 : i32
    %c0_i32_1 = arith.constant 0 : i32
    return %c0_i32, %c0_i32_0 : i32, i32
  }
  func.func @transform_10(%arg0: i32) -> (i32, i32) {
    %c0_i32 = arith.constant 0 : i32
    %c0_i32_0 = arith.constant 0 : i32
    %c0_i32_1 = arith.constant 0 : i32
    return %c0_i32, %c0_i32_0 : i32, i32
  }
  func.func @transform_11(%arg0: i32) -> (i32, i32) {
    %c0_i32 = arith.constant 0 : i32
    %c0_i32_0 = arith.constant 0 : i32
    return %c0_i32, %arg0 : i32, i32
  }
}

</mosaic_0001>

<sc_bundles>
// kernel: kernel.4.cloned.1.call-start
scs
__scs_entry_jumppad:
0x0: {  	(pc) =	sbr.rel $0x88, $3  }
0x1: {  	(tag) =	ssettag $0x0;
	lr =	simm.s32 $0x1  }
0x2: {  	[smem:$0x3F91] =	sst lr;
	_ =	strace $0xD0000000  }
0x3: {  	_ = 	snop  }
0x4: {  	_ = 	snop  }
0x5: {  	_ = 	snop  }
0x6: {  	_ = 	snop  }
0x7: {  	_ = 	snop  }
__scs_overlays_trampoline_lowered:
0x8: {  	[smem:$0x3FA0] =	sst s0  }
0x9: {  	[smem:$0x3FA1] =	sst s1  }
0xa: {  	[smem:$0x3FA2] =	sst s2  }
0xb: {  	[smem:$0x3FA3] =	sst s3  }
0xc: {  	[smem:$0x3FA4] =	sst s4  }
0xd: {  	[smem:$0x3FA5] =	sst s5  }
0xe: {  	[smem:$0x3FA6] =	sst s6  }
0xf: {  	[smem:$0x3FA7] =	sst s7  }
0x10: {  	[smem:$0x3FA8] =	sst s8  }
0x11: {  	[smem:$0x3FA9] =	sst s9;
	s0 =	simm.s32 @!p0 $0x0  }
0x12: {  	s1 =	sld [smem:$0x3F8F];
	s0 =	simm.s32 @p0 $0x1  }
0x13: {  	[smem:$0x3FAA] =	sst s0;
	s0 =	simm.s32 @!p1 $0x0  }
0x14: {  	s2 =	sld [smem:$0x3F8E];
	s0 =	simm.s32 @p1 $0x1  }
0x15: {  	[smem:$0x3FAB] =	sst s0;
	s0 =	simm.s32 @!p2 $0x0  }
0x16: {  	s3 =	sld [smem:$0x3FDB];
	s0 =	simm.s32 @p2 $0x1  }
0x17: {  	s4 =	simm.s32 $0x1BF5;
	[smem:$0x3FAD] =	sst s0  }
0x18: {  	s0 =	sld [smem:$0x3F90];
	_ =	swait.ge [sflag:s4], $0x0  }
0x19: {  	s7 =	sld [smem:$0x3F91]  }
0x1a: {  	s8 =	sadd.s32 $0xFFFFE003, lr  }
0x1b: {  	s9 =	sadd.s32 $0xFFFFFEF7, lr;
	s5 =	simm.s32 $0xFFFFFFFF;
	p2 =	slt.u32 s8, $0xFFFFF086  }
0x1c: {  	p1 =	slt.u32 s9, $0xF7A;
	s5 =	simm.s32 @!p2 $0x0  }
0x1d: {  	s5 =	simm.s32 @p1 $0x1;
	p0 =	seq.s32 s7, s2  }
0x1e: {  	s7 =	smul.u32 @!p0 $0xF7A, s2;
	p2 =	seq.s32 @!p0 s5, $0x0  }
0x1f: {  	s9 =	smul.u32 $0xF7A, s1;
	s8 =	simm.s32 @!p0 $0x1BF5;
	p2 =	por !p2, p0  }
0x20: {  	[sflag:s8] =	ssyncset.s32 @!p0 $0xFFFFF086;
	s6 =	sadd.s32 @!p0 s3, s7;
	s7 =	simm.s32 @!p0 $0x108  }
0x21: {  	s3 =	sadd.s32 s3, s9;
	s6 =	sadd.s32 @!p0 $0x88, s6;
	s7 =	simm.s32 @p2 $0x1082  }
0x22: {  	[simem:s7], [sflag:s8] =	dma.local @!p0 [hbm:s6], $0xF7A  }
0x23: {  	s9 =	sor.u32 $0xD0000000, s2;
	s6 =	simm.s32 $0x108;
	_ =	swait.ge @!p0 [sflag:s8], $0x0  }
0x24: {  	s3 =	sadd.s32 $0x88, s3;
	s6 =	simm.s32 @!p1 $0x1082;
	[sflag:s4] =	ssyncset.s32 $0xFFFFF086  }
0x25: {  	[simem:s6], [sflag:s4] =	dma.local [hbm:s3], $0xF7A  }
0x26: {  	[smem:$0x3F91] =	sst s1;
	(tag) =	ssettag s2;
	_ =	strace s9  }
0x27: {  	s1 =	sld [smem:$0x3FA1]  }
0x28: {  	s2 =	sld [smem:$0x3FA2]  }
0x29: {  	s4 =	sld [smem:$0x3FA4]  }
0x2a: {  	p0 =	seq.s32 s5, $0x0;
	s5 =	sld [smem:$0x3FA5]  }
0x2b: {  	s6 =	sld [smem:$0x3FA6]  }
0x2c: {  	s7 =	sld [smem:$0x3FA7]  }
0x2d: {  	s3 =	simm.s32 $0x108;
	s8 =	sld [smem:$0x3FA8]  }
0x2e: {  	s3 =	simm.s32 @!p0 $0x1082;
	s9 =	sld [smem:$0x3FA9]  }
0x2f: {  	lr =	sadd.s32 s0, s3;
	s0 =	sld [smem:$0x3FA0]  }
0x30: {  	s3 =	sld [smem:$0x3FA3]  }
0x31: {  	[smem:$0x3FAC] =	sst s10  }
0x32: {  	s10 =	sld [smem:$0x3FAA];
	_ =	sdelay $0x3  }
0x33: {  	p0 =	seq.s32 s10, $0x1;
	s10 =	sld [smem:$0x3FAC];
	_ =	sdelay $0x3  }
0x34: {  	[smem:$0x3FAC] =	sst s10  }
0x35: {  	s10 =	sld [smem:$0x3FAB];
	_ =	sdelay $0x3  }
0x36: {  	p1 =	seq.s32 s10, $0x1;
	s10 =	sld [smem:$0x3FAC];
	_ =	sdelay $0x3  }
0x37: {  	[smem:$0x3FAC] =	sst s10  }
0x38: {  	s10 =	sld [smem:$0x3FAD]  }
0x39: {  	_ = 	snop;
	(pc) =	sbr.ind lr, $3  }
0x3a: {  	_ = 	snop  }
0x3b: {  	_ = 	snop  }
0x3c: {  	p2 =	seq.s32 s10, $0x1;
	s10 =	sld [smem:$0x3FAC]  }
0x3d: {  	_ =	shalt  }
0x3e: {  	_ =	shalt  }
0x3f: {  	_ =	shalt  }
0x40: {  	_ =	shalt  }
0x41: {  	_ =	shalt  }
0x42: {  	_ =	shalt  }
0x43: {  	_ =	shalt  }
0x44: {  	_ =	shalt  }
0x45: {  	_ =	shalt  }
0x46: {  	_ =	shalt  }
0x47: {  	_ =	shalt  }
0x48: {  	_ =	shalt  }
0x49: {  	_ =	shalt  }
0x4a: {  	_ =	shalt  }
0x4b: {  	_ =	shalt  }
0x4c: {  	_ =	shalt  }
0x4d: {  	_ =	shalt  }
0x4e: {  	_ =	shalt  }
0x4f: {  	_ =	shalt  }
0x50: {  	_ =	shalt  }
0x51: {  	_ =	shalt  }
0x52: {  	_ =	shalt  }
0x53: {  	_ =	shalt  }
0x54: {  	_ =	shalt  }
0x55: {  	_ =	shalt  }
0x56: {  	_ =	shalt  }
0x57: {  	_ =	shalt  }
0x58: {  	_ =	shalt  }
0x59: {  	_ =	shalt  }
0x5a: {  	_ =	shalt  }
0x5b: {  	_ =	shalt  }
0x5c: {  	_ =	shalt  }
0x5d: {  	_ =	shalt  }
0x5e: {  	_ =	shalt  }
0x5f: {  	_ =	shalt  }
0x60: {  	_ =	shalt  }
0x61: {  	_ =	shalt  }
0x62: {  	_ =	shalt  }
0x63: {  	_ =	shalt  }
0x64: {  	_ =	shalt  }
0x65: {  	_ =	shalt  }
0x66: {  	_ =	shalt  }
0x67: {  	_ =	shalt  }
0x68: {  	_ =	shalt  }
0x69: {  	_ =	shalt  }
0x6a: {  	_ =	shalt  }
0x6b: {  	_ =	shalt  }
0x6c: {  	_ =	shalt  }
0x6d: {  	_ =	shalt  }
0x6e: {  	_ =	shalt  }
0x6f: {  	_ =	shalt  }
0x70: {  	_ =	shalt  }
0x71: {  	_ =	shalt  }
0x72: {  	_ =	shalt  }
0x73: {  	_ =	shalt  }
0x74: {  	_ =	shalt  }
0x75: {  	_ =	shalt  }
0x76: {  	_ =	shalt  }
0x77: {  	_ =	shalt  }
0x78: {  	_ =	shalt  }
0x79: {  	_ =	shalt  }
0x7a: {  	_ =	shalt  }
0x7b: {  	_ =	shalt  }
0x7c: {  	_ =	shalt  }
0x7d: {  	_ =	shalt  }
0x7e: {  	_ =	shalt  }
0x7f: {  	_ =	shalt  }
0x80: {  	_ =	shalt  }
0x81: {  	_ =	shalt  }
0x82: {  	_ =	shalt  }
0x83: {  	_ =	shalt  }
0x84: {  	_ =	shalt  }
0x85: {  	_ =	shalt  }
0x86: {  	_ =	shalt  }
0x87: {  	_ =	shalt  }
.Lfunc_end0:
.L_simem_size_0:
called_computation_lowered:
.L_overlay_start_0:
0x88: {  	s2 =	sld [smem:$0x3FD9]  }
0x89: {  	s3 =	sld [smem:$0x3FFE];
	_ =	sdelay $0x1  }
0x8a: {  	s1 =	srdreg.scid  }
0x8b: {  	s0 =	sand.u32 $0x1, s1  }
0x8c: {  	s17 =	sshll.u32 s0, $0xA;
	s2 =	sadd.s32 s3, s2  }
0x8d: {  	s2 =	sadd.s32 s2, s17  }
0x8e: {  	[smem:$0x3FB8] =	sst s2  }
0x8f: {  	_ = 	snop  }
0x90: {  	s2 =	sld [smem:$0x3FC8]  }
0x91: {  	s18 =	sld [smem:$0x3FC7]  }
0x92: {  	s4 =	sld [smem:$0x3FC6]  }
0x93: {  	s5 =	sld [smem:$0x3FD0];
	(tm) =	ssettm $0x1  }
0x94: {  	s6 =	sld [smem:$0x3FFB];
	_ =	sdelay $0x3  }
0x95: {  	_ =	strace s6  }
0x96: {  	s6 =	sld [smem:$0x3FFC];
	_ =	sdelay $0x3  }
0x97: {  	_ =	strace s6  }
0x98: {  	s6 =	sld [smem:$0x3FFD];
	_ =	sdelay $0x3  }
0x99: {  	_ =	strace s6  }
0x9a: {  	_ =	strace $0x8FFFFFFF  }
0x9b: {  	s19 =	sld [smem:$0x3FDB];
	_ =	sdelay $0x1  }
0x9c: {  	s7 =	simm.s32 $_scs_section_size  }
0x9d: {  	s8 =	simm.s32 $_size__tile_overlayer_lowered;
	s9 =	simm.s32 $_tile_overlayer_lowered  }
0x9e: {  	s22 =	simm.s32 $0x1BFF;
	s21 =	sshll.u32 s9, $0x1;
	s6 =	sadd.s32 s7, s19  }
0x9f: {  	s10 =	simm.s32 $0x0;
	s20 =	sshll.u32 s8, $0x1;
	s8 =	sadd.s32 s21, s6  }
0xa0: {  	[timem:s10], [sflag:s22] =	dma.local [hbm:s8], s20  }
0xa1: {  	_ =	swait.ge [sflag:s22], s20  }
0xa2: {  	s7 =	ssub.s32 $0x0, s20;
	[sflag:s22] =	ssyncset.done $0x0  }
0xa3: {  	[sflag:s22] =	ssyncadd.s32 s7;
	_ =	sdelay $0x1  }
0xa4: {  	s23 =	simm.s32 $0x1B8B  }
0xa5: {  	_ =	swait.ge [sflag:s23], $0x1  }
0xa6: {  	[sflag:s23] =	ssyncset.done $0x0  }
0xa7: {  	s25 =	simm.s32 $0x1B8E;
	s24 =	sld [smem:$0x3FFE];
	[sflag:s23] =	ssyncadd.s32 $0xFFFFFFFF  }
0xa8: {  	s26 =	simm.s32 $execute0_lowered;
	[smem:$0x3FD2] =	sst s25  }
0xa9: {  	s8 =	sshll.u32 s26, $0x1;
	_ =	strace $0x80000046;
	[dreg:$0x1] =	wrdreg $0xFFFFFFFF  }
0xaa: {  	s28 =	simm.s32 $_size_execute0_lowered;
	s6 =	sadd.s32 s6, s8;
	[dreg:$0x0] =	wrdreg $0x0  }
0xab: {  	s8 =	sshll.u32 s28, $0x1;
	[dreg:$0x2] =	wrdreg s6  }
0xac: {  	[dreg:$0x3] =	wrdreg s8  }
0xad: {  	[dreg:$0x4] =	wrdreg $0xC0  }
0xae: {  	_ =	task [dreg:s10], $0x5FFFF  }
0xaf: {  	[dreg:$0x1] =	wrdreg $0xFFFFFFFF  }
0xb0: {  	[dreg:$0x0] =	wrdreg $0x60  }
0xb1: {  	[dreg:$0x2] =	wrdreg s2  }
0xb2: {  	[dreg:$0x3] =	wrdreg s18  }
0xb3: {  	[dreg:$0x4] =	wrdreg s4  }
0xb4: {  	[dreg:$0x5] =	wrdreg s5  }
0xb5: {  	[dreg:$0x6] =	wrdreg s24  }
0xb6: {  	[dreg:$0x7] =	wrdreg $0x79000  }
0xb7: {  	[dreg:$0x8] =	wrdreg $0x7B800  }
0xb8: {  	[dreg:$0x9] =	wrdreg $0x9  }
0xb9: {  	_ =	task.clear_ibuf [dreg:s10], $0xAFFFF;
	_ =	strace $0x90000046  }
0xba: {  	s29 =	simm.s32 $0x9;
	_ =	strace $0x80000048  }
0xbb: {  	_ =	swait.ge [sflag:s29], $0x1  }
0xbc: {  	[sflag:s29] =	ssyncadd.s32 $0xFFFFFFFF  }
0xbd: {  	_ =	strace $0x90000048  }
0xbe: {  	_ =	sfence  }
0xbf: {  	s30 =	sld [smem:$0x0];
	_ =	sdelay $0x2  }
0xc0: {  	s31 =	sshll.u32 s1, $0xD;
	s1 =	sshrl.u32 s1, $0x2  }
0xc1: {  	s3 =	sand.u32 $0x4000, s31;
	s1 =	sadd.s32 s1, s30  }
0xc2: {  	s0 =	sor.u32 s3, s0;
	s1 =	sshll.u32 s1, $0x11  }
0xc3: {  	s0 =	sor.u32 s1, s0  }
0xc4: {  	s0 =	sadd.s32 $0x8F2B, s0  }
0xc5: {  	[sflag:s0] =	ssyncadd.remote.s32 $0x1  }
0xc6: {  	_ =	sfence.sel $0xFFFF  }
0xc7: {  	[dreg:$0x0] =	wrdreg $0xFFFFFFFF;
	(pc) =	sbr.abs _section_cstart, $3  }
0xc8: {  	[dreg:$0x1] =	wrdreg $0xFFFFFFFF  }
0xc9: {  	_ =	task.clear_ibuf [dreg:s10], $0x2FFFF;
	_ =	strace $0x9FFFFFFF  }
0xca: {  	(tm) =	ssettm $0x7FFFFFFF  }
0xcb: {  	_ =	shalt  }
tec
execute0_lowered:
.L_overlay_start_1:
0x0: {  	(tag) =	ssettag $0x1  }
0x1: {  	s5 =	rddreg [dreg:$0x0]  }
0x2: {  	s6 =	rddreg [dreg:$0x1]  }
0x3: {  	s9 =	rddreg [dreg:$0x2];
	s0 =	srdreg.scid  }
0x4: {  	s11 =	rddreg [dreg:$0x3];
	s12 =	sand.u32 $0x1, s0  }
0x5: {  	s10 =	rddreg [dreg:$0x4];
	s0 =	stileid.u32;
	s1 =	sshll.u32 s12, $0x4  }
0x6: {  	s2 =	rddreg [dreg:$0x5];
	s7 =	sor.u32 s0, s1  }
0x7: {  	s3 =	rddreg [dreg:$0x6];
	s4 =	simm.s32 $0x0;
	s13 =	smul.u32 $0x4E2, s7  }
0x8: {  	[smem:$0x7FF] =	sst s4  }
0x9: {  	s1 =	rddreg [dreg:$0x7];
	_ =	strace $0x80000047;
	s7 =	sadd.s32 s5, s13  }
0xa: {  	[tilespmem:s4], [sflag:$0x1] =	stream.linear.gather [hbm4b:s7+s4], $0x2710, $0x38;
	[tilespmem:$0x7E00] =	vst v63  }
0xb: {  	s8 =	sadd.s32 s6, s13;
	s5 =	simm.s32 $0x2780  }
0xc: {  	[tilespmem:s5], [sflag:$0x2] =	stream.linear.gather [hbm4b:s8+s4], $0x2710, $0x38;
	[tilespmem:$0x7E00] =	vst v63  }
0xd: {  	s9 =	sadd.s32 s9, s13;
	s6 =	simm.s32 $0x4F00  }
0xe: {  	v0 =	vimm.f32 $0.0e+00;
	[tilespmem:s6], [sflag:$0x3] =	stream.linear.gather [hbm4b:s9+s4], $0x2710, $0x38;
	[tilespmem:$0x7E00] =	vst v63  }
0xf: {  	[tilespmem:$0x78F0] =	vst v0  }
0x10: {  	[tilespmem:$0x78E0] =	vst v0  }
0x11: {  	[tilespmem:$0x78D0] =	vst v0  }
0x12: {  	[tilespmem:$0x78C0] =	vst v0  }
0x13: {  	[tilespmem:$0x78B0] =	vst v0  }
0x14: {  	[tilespmem:$0x78A0] =	vst v0  }
0x15: {  	[tilespmem:$0x7890] =	vst v0  }
0x16: {  	[tilespmem:$0x7880] =	vst v0  }
0x17: {  	[tilespmem:$0x7870] =	vst v0  }
0x18: {  	[tilespmem:$0x7860] =	vst v0  }
0x19: {  	[tilespmem:$0x7850] =	vst v0  }
0x1a: {  	[tilespmem:$0x7840] =	vst v0  }
0x1b: {  	[tilespmem:$0x7830] =	vst v0  }
0x1c: {  	[tilespmem:$0x7820] =	vst v0  }
0x1d: {  	[tilespmem:$0x7810] =	vst v0  }
0x1e: {  	[tilespmem:$0x7800] =	vst v0  }
0x1f: {  	[tilespmem:$0x77F0] =	vst v0  }
0x20: {  	[tilespmem:$0x77E0] =	vst v0  }
0x21: {  	[tilespmem:$0x77D0] =	vst v0  }
0x22: {  	[tilespmem:$0x77C0] =	vst v0  }
0x23: {  	[tilespmem:$0x77B0] =	vst v0  }
0x24: {  	[tilespmem:$0x77A0] =	vst v0  }
0x25: {  	[tilespmem:$0x7790] =	vst v0  }
0x26: {  	[tilespmem:$0x7780] =	vst v0  }
0x27: {  	[tilespmem:$0x7770] =	vst v0  }
0x28: {  	[tilespmem:$0x7760] =	vst v0  }
0x29: {  	s25 =	simm.s32 $0x7680;
	s14 =	sshll.u32 s12, $0x7;
	s12 =	ssub.s32 $0x2, s12;
	[tilespmem:$0x7750] =	vst v0  }
0x2a: {  	s23 =	simm.s32 $0x2;
	s22 =	simm.s32 $0x3;
	s30 =	sshrl.u32 s12, $0x1;
	[tilespmem:$0x7740] =	vst v0  }
0x2b: {  	s20 =	simm.s32 $0x2710;
	s18 =	simm.s32 $0x4;
	s12 =	ssub.s32 s12, s30;
	[tilespmem:$0x7730] =	vst v0  }
0x2c: {  	s16 =	simm.s32 $0x5;
	s29 =	smul.u32 $0x280, s0;
	s21 =	smax.u32 s12, $0x1;
	[tilespmem:$0x7720] =	vst v0  }
0x2d: {  	s17 =	simm.s32 $0x20;
	s28 =	smul.u32 $0x500, s0;
	p0 =	sne.s32 s21, $0x1;
	[tilespmem:$0x7710] =	vst v0  }
.Ltmp0:
0x2e: {  	s31 =	sshll.u32 s0, $0x6;
	s24 =	sadd.s32 s29, s2;
	[tilespmem:$0x7700] =	vst v0;
	(pc) =	sbr.rel @!p0 .LBB2_2-.Ltmp0, $4  }
0x2f: {  	s12 =	simm.s32 $0x6;
	s19 =	sshrl.u32 s24, $0x3;
	s13 =	sor.u32 s14, s28;
	[tilespmem:$0x76F0] =	vst v0  }
0x30: {  	s14 =	simm.s32 $0x1;
	s26 =	sadd.s32 $0xFFFFFFFF, s21;
	s13 =	sshrl.u32 s13, $0x3;
	[tilespmem:$0x76E0] =	vst v0  }
0x31: {  	s21 =	simm.s32 $0x10;
	s15 =	sadd.s32 s13, s10;
	s10 =	sadd.s32 s29, s3;
	[tilespmem:$0x76D0] =	vst v0  }
0x32: {  	s13 =	sadd.s32 s11, s13;
	s11 =	sadd.s32 $0x2E00, s15;
	s15 =	sor.u32 $0x1C06, s31;
	[tilespmem:$0x76C0] =	vst v0  }
.LBB2_1:
0x33: {  	p0 =	sne.s32 s26, $0x1;
	s26 =	sadd.s32 $0xFFFFFFFF, s26;
	[tilespmem:$0x76B0] =	vst v0  }
0x34: {  	[tilespmem:$0x76A0] =	vst v0  }
0x35: {  	[tilespmem:$0x7680] =	vst v0  }
0x36: {  	[tilespmem:$0x7690] =	vst v0  }
0x37: {  	[spmem:s24] =	stream.linear.scatter [tilespmem:s25], [sflag:$0x6], $0x280, $0x38;
	[tilespmem:$0x7E00] =	vst v63  }
0x38: {  	_ =	swait.ge [sflag:s12], $0x280  }
0x39: {  	[sflag:s12] =	ssyncset.done $0x0  }
0x3a: {  	[sflag:s12] =	ssyncadd.s32 $0xFFFFFD80  }
0x3b: {  	[spmem:s10] =	stream.linear.scatter [tilespmem:s25], [sflag:$0x6], $0x280, $0x38;
	[tilespmem:$0x7E00] =	vst v63  }
0x3c: {  	_ =	swait.ge [sflag:s12], $0x280  }
0x3d: {  	[sflag:s12] =	ssyncset.done $0x0  }
0x3e: {  	[sflag:s12] =	ssyncadd.s32 $0xFFFFFD80  }
0x3f: {  	[bflag:$0x0] =	sbarrier.arrive $0xFFFF  }
0x40: {  	_ =	swait.ge [sflag:s14], $0x2710  }
0x41: {  	[sflag:s14] =	ssyncset.done $0x0  }
0x42: {  	[sflag:s14] =	ssyncadd.s32 $0xFFFFD8F0  }
0x43: {  	_ =	swait.ge [sflag:s23], $0x2710  }
0x44: {  	[sflag:s23] =	ssyncset.done $0x0  }
0x45: {  	[sflag:s23] =	ssyncadd.s32 $0xFFFFD8F0  }
0x46: {  	_ =	swait.ge [sflag:s22], $0x2710  }
0x47: {  	[sflag:s22] =	ssyncset.done $0x0  }
0x48: {  	[sflag:s22] =	ssyncadd.s32 $0xFFFFD8F0  }
0x49: {  	[spmem:s2] =	stream.indirect.scatter.add.f32 [tilespmem:s5], [sflag:$0x4], $0x1, s4, s20, $0xb8;
	[tilespmem:$0x7E00] =	vst v63  }
0x4a: {  	_ = 	snop  }
0x4b: {  	[spmem:s3] =	stream.indirect.scatter.add.f32 [tilespmem:s6], [sflag:$0x5], $0x1, s4, s20, $0xb8;
	[tilespmem:$0x7E00] =	vst v63  }
0x4c: {  	_ =	swait.ge [sflag:s18], $0x2710  }
0x4d: {  	[sflag:s18] =	ssyncset.done $0x0  }
0x4e: {  	[sflag:s18] =	ssyncadd.s32 $0xFFFFD8F0  }
0x4f: {  	_ =	swait.ge [sflag:s16], $0x2710  }
0x50: {  	[sflag:s16] =	ssyncset.done $0x0  }
0x51: {  	[sflag:s16] =	ssyncadd.s32 $0xFFFFD8F0  }
0x52: {  	[bflag:$0x0] =	sbarrier.arrive $0xFFFF  }
0x53: {  	[hbm:s13@s17], [sflag:s15] =	dma.strided [spmem:s19@s21], $0x50, s14, $0x10   }
0x54: {  	_ =	swait.ge [sflag:s12], $0x50  }
0x55: {  	s28 =	sshrl.u32 s10, $0x3;
	[sflag:s12] =	ssyncset.done $0x0  }
0x56: {  	[sflag:s12] =	ssyncadd.s32 $0xFFFFFFB0  }
0x57: {  	[hbm:s11@s17], [sflag:s15] =	dma.strided [spmem:s28@s21], $0x50, s14, $0x10   }
0x58: {  	_ =	swait.ge [sflag:s12], $0x50  }
0x59: {  	[sflag:s12] =	ssyncset.done $0x0  }
0x5a: {  	[sflag:s12] =	ssyncadd.s32 $0xFFFFFFB0  }
0x5b: {  	[tilespmem:s4], [sflag:$0x1] =	stream.linear.gather [hbm4b:s7+s4], $0x2710, $0x38;
	[tilespmem:$0x7E00] =	vst v63  }
0x5c: {  	_ = 	snop  }
0x5d: {  	[tilespmem:s5], [sflag:$0x2] =	stream.linear.gather [hbm4b:s8+s4], $0x2710, $0x38;
	[tilespmem:$0x7E00] =	vst v63  }
0x5e: {  	_ = 	snop  }
0x5f: {  	[tilespmem:s6], [sflag:$0x3] =	stream.linear.gather [hbm4b:s9+s4], $0x2710, $0x38;
	[tilespmem:$0x7E00] =	vst v63  }
0x60: {  	[tilespmem:$0x78F0] =	vst v0  }
0x61: {  	[tilespmem:$0x78E0] =	vst v0  }
0x62: {  	[tilespmem:$0x78D0] =	vst v0  }
0x63: {  	[tilespmem:$0x78C0] =	vst v0  }
0x64: {  	[tilespmem:$0x78B0] =	vst v0  }
0x65: {  	[tilespmem:$0x78A0] =	vst v0  }
0x66: {  	[tilespmem:$0x7890] =	vst v0  }
0x67: {  	[tilespmem:$0x7880] =	vst v0  }
0x68: {  	[tilespmem:$0x7870] =	vst v0  }
0x69: {  	[tilespmem:$0x7860] =	vst v0  }
0x6a: {  	[tilespmem:$0x7850] =	vst v0  }
0x6b: {  	[tilespmem:$0x7840] =	vst v0  }
0x6c: {  	[tilespmem:$0x7830] =	vst v0  }
0x6d: {  	[tilespmem:$0x7820] =	vst v0  }
0x6e: {  	[tilespmem:$0x7810] =	vst v0  }
0x6f: {  	[tilespmem:$0x7800] =	vst v0  }
0x70: {  	[tilespmem:$0x77F0] =	vst v0  }
0x71: {  	[tilespmem:$0x77E0] =	vst v0  }
0x72: {  	[tilespmem:$0x77D0] =	vst v0  }
0x73: {  	[tilespmem:$0x77C0] =	vst v0  }
0x74: {  	[tilespmem:$0x77B0] =	vst v0  }
0x75: {  	[tilespmem:$0x77A0] =	vst v0  }
0x76: {  	[tilespmem:$0x7790] =	vst v0  }
0x77: {  	[tilespmem:$0x7780] =	vst v0  }
0x78: {  	[tilespmem:$0x7770] =	vst v0  }
0x79: {  	[tilespmem:$0x7760] =	vst v0  }
0x7a: {  	[tilespmem:$0x7750] =	vst v0  }
0x7b: {  	[tilespmem:$0x7740] =	vst v0  }
0x7c: {  	[tilespmem:$0x7730] =	vst v0  }
0x7d: {  	[tilespmem:$0x7720] =	vst v0  }
0x7e: {  	[tilespmem:$0x7710] =	vst v0  }
.Ltmp1:
0x7f: {  	[tilespmem:$0x7700] =	vst v0;
	(pc) =	sbr.rel @p0 .LBB2_1-.Ltmp1, $4  }
0x80: {  	[tilespmem:$0x76F0] =	vst v0  }
0x81: {  	[tilespmem:$0x76E0] =	vst v0  }
0x82: {  	[tilespmem:$0x76D0] =	vst v0  }
0x83: {  	[tilespmem:$0x76C0] =	vst v0  }
.LBB2_2:
0x84: {  	[tilespmem:$0x76B0] =	vst v0  }
0x85: {  	[tilespmem:$0x76A0] =	vst v0  }
0x86: {  	[tilespmem:$0x7680] =	vst v0  }
0x87: {  	[tilespmem:$0x7690] =	vst v0  }
0x88: {  	[spmem:s24] =	stream.linear.scatter [tilespmem:s25], [sflag:$0x6], $0x280, $0x38;
	[tilespmem:$0x7E00] =	vst v63  }
0x89: {  	_ =	swait.ge [sflag:s12], $0x280  }
0x8a: {  	[sflag:s12] =	ssyncset.done $0x0  }
0x8b: {  	[sflag:s12] =	ssyncadd.s32 $0xFFFFFD80  }
0x8c: {  	[spmem:s10] =	stream.linear.scatter [tilespmem:s25], [sflag:$0x6], $0x280, $0x38;
	[tilespmem:$0x7E00] =	vst v63  }
0x8d: {  	_ =	swait.ge [sflag:s12], $0x280  }
0x8e: {  	[sflag:s12] =	ssyncset.done $0x0  }
0x8f: {  	[sflag:s12] =	ssyncadd.s32 $0xFFFFFD80  }
0x90: {  	[bflag:$0x0] =	sbarrier.arrive $0xFFFF  }
0x91: {  	_ =	swait.ge [sflag:s14], $0x2710  }
0x92: {  	[sflag:s14] =	ssyncset.done $0x0  }
0x93: {  	[sflag:s14] =	ssyncadd.s32 $0xFFFFD8F0  }
0x94: {  	_ =	swait.ge [sflag:s23], $0x2710  }
0x95: {  	[sflag:s23] =	ssyncset.done $0x0  }
0x96: {  	[sflag:s23] =	ssyncadd.s32 $0xFFFFD8F0  }
0x97: {  	_ =	swait.ge [sflag:s22], $0x2710  }
0x98: {  	[sflag:s22] =	ssyncset.done $0x0  }
0x99: {  	[sflag:s22] =	ssyncadd.s32 $0xFFFFD8F0  }
0x9a: {  	[spmem:s2] =	stream.indirect.scatter.add.f32 [tilespmem:s5], [sflag:$0x4], $0x1, s4, s20, $0xb8;
	[tilespmem:$0x7E00] =	vst v63  }
0x9b: {  	_ = 	snop  }
0x9c: {  	[spmem:s3] =	stream.indirect.scatter.add.f32 [tilespmem:s6], [sflag:$0x5], $0x1, s4, s20, $0xb8;
	[tilespmem:$0x7E00] =	vst v63  }
0x9d: {  	_ =	swait.ge [sflag:s18], $0x2710  }
0x9e: {  	[sflag:s18] =	ssyncset.done $0x0  }
0x9f: {  	[sflag:s18] =	ssyncadd.s32 $0xFFFFD8F0  }
0xa0: {  	_ =	swait.ge [sflag:s16], $0x2710  }
0xa1: {  	[sflag:s16] =	ssyncset.done $0x0  }
0xa2: {  	[sflag:s16] =	ssyncadd.s32 $0xFFFFD8F0  }
0xa3: {  	[bflag:$0x0] =	sbarrier.arrive $0xFFFF  }
0xa4: {  	[hbm:s13@s17], [sflag:s15] =	dma.strided [spmem:s19@s21], $0x50, s14, $0x10   }
0xa5: {  	_ =	swait.ge [sflag:s12], $0x50  }
0xa6: {  	[sflag:s12] =	ssyncset.done $0x0  }
0xa7: {  	s31 =	sshrl.u32 s10, $0x3;
	[sflag:s12] =	ssyncadd.s32 $0xFFFFFFB0  }
0xa8: {  	[hbm:s11@s17], [sflag:s15] =	dma.strided [spmem:s31@s21], $0x50, s14, $0x10   }
0xa9: {  	_ =	swait.ge [sflag:s12], $0x50  }
0xaa: {  	[sflag:s12] =	ssyncset.done $0x0  }
0xab: {  	[sflag:s12] =	ssyncadd.s32 $0xFFFFFFB0  }
0xac: {  	_ =	sfence.sel $0x180000  }
0xad: {  	[bflag:$0x0] =	sbarrier.arrive $0xFFFF  }
0xae: {  	p0 =	sne.s32 s0, $0x0;
	_ =	strace $0x90000047  }
0xaf: {  	s0 =	sadd.s32 @!p0 $0x100000, s1;
	[bflag:$0x2] =	sbarrier.arrive $0xFFFF  }
0xb0: {  	[sflag:s0] =	ssyncadd.tile.s32 @!p0 $0x1;
	_ =	shalt  }
.Lfunc_end2:
_tile_overlayer_lowered:
.L_overlay_start_2:
0xb1: {  	(tag) =	ssettag $0x2  }
0xb2: {  	s0 =	rddreg [dreg:$0x0];
	s2 =	stileid.u32  }
0xb3: {  	s1 =	rddreg [dreg:$0x1];
	p0 =	sne.s32 s2, $0x0  }
0xb4: {  	s3 =	rddreg [dreg:$0x2];
	[bflag:$0x3] =	sbarrier.arrive $0xFFFF;
	s2 =	simm.s32 @!p0 $0x1C06  }
0xb5: {  	[timem:s3], [sflag:s2] =	dma.local @!p0 [hbm:s0], s1  }
0xb6: {  	s0 =	simm.s32 @!p0 $0x6  }
0xb7: {  	_ =	swait.ge @!p0 [sflag:s0], s1  }
0xb8: {  	s1 =	ssub.s32 @!p0 $0x0, s1;
	[sflag:s0] =	ssyncset.done @!p0 $0x0  }
0xb9: {  	[sflag:s0] =	ssyncadd.s32 @!p0 s1  }
0xba: {  	[bflag:$0x3] =	sbarrier.arrive $0xFFFF  }
0xbb: {  	_ =	shalt  }

</sc_bundles>
